<compile_context>
chip_gen: v7x
topology: tpu7x:2x2x1
jax: 0.10.2.dev20260603
libtpu: 0.0.44.dev20260713+nightly
codegen_flags: <defaults>
</compile_context>

<pallas_src>
import functools

import jax
import jax.numpy as jnp
from jax import lax
from jax.experimental import pallas as pl
from jax.experimental.pallas import tpu as pltpu
from jax.experimental.pallas import tpu_sc as plsc

B = 64
N = 1025
D = 768
NP = N - 1
K = NP // 2
OUT_T = K + 1


def _scores():
    return jax.random.normal(jax.random.key(42), (B, NP), dtype=jnp.float32)


def _topk_perm_body(s_ref, out_ref):
    v_row = s_ref[...].reshape(1, NP)
    v_col = v_row.reshape(NP, 1)
    gt = (v_row > v_col).astype(jnp.int32)
    rank = jnp.sum(gt, axis=1, keepdims=True)
    slots = lax.broadcasted_iota(jnp.int32, (1, NP), 1)
    m = (rank == slots - 1).astype(jnp.int32)
    tval = lax.broadcasted_iota(jnp.int32, (NP, 1), 0) + 1
    row = jnp.sum(m * tval, axis=0, keepdims=True)
    row = jnp.where(slots == 0, 0, row)
    out_ref[...] = row.reshape(1, 1, NP)


def _topk_perm(scores):
    return pl.pallas_call(
        _topk_perm_body,
        grid=(B,),
        in_specs=[pl.BlockSpec((1, 1, NP), lambda b: (b, 0, 0))],
        out_specs=pl.BlockSpec((1, 1, NP), lambda b: (b, 0, 0)),
        out_shape=jax.ShapeDtypeStruct((B, 1, NP), jnp.int32),
    )(scores[:, None, :]).reshape(B, NP)


_NC, _NS = 2, 16
_NW = _NC * _NS
_SPW = K // _NW


def _sc_gather_body(x_hbm, fidx_hbm, out_hbm, idx_v, idx_e, buf0, buf1,
                    sem0, sem1):
    wid = lax.axis_index("s") * _NC + lax.axis_index("c")
    s0 = wid * _SPW
    pltpu.sync_copy(fidx_hbm.at[pl.ds(s0, _SPW)], idx_v)

    def slot_pair(kpair, _):
        k0 = kpair * 2
        k1 = k0 + 1
        g0 = pltpu.async_copy(x_hbm.at[idx_v.at[k0]], buf0, sem0)
        g1 = pltpu.async_copy(x_hbm.at[idx_v.at[k1]], buf1, sem1)
        g0.wait()
        pltpu.sync_copy(buf0, out_hbm.at[pl.ds((s0 + k0) * B, B)])
        g1.wait()
        pltpu.sync_copy(buf1, out_hbm.at[pl.ds((s0 + k1) * B, B)])
        return 0

    lax.fori_loop(0, _SPW // 2, slot_pair, 0)

    @pl.when(wid == _NW - 1)
    def _():
        pltpu.sync_copy(fidx_hbm.at[pl.ds(K, 1)], idx_e)
        pltpu.async_copy(x_hbm.at[idx_e.at[0]], buf0, sem0).wait()
        pltpu.sync_copy(buf0, out_hbm.at[pl.ds(K * B, B)])


@functools.lru_cache(maxsize=None)
def _sc_gather_kernel():
    return pl.kernel(
        _sc_gather_body,
        out_type=jax.ShapeDtypeStruct((OUT_T * B, D), jnp.float32),
        mesh=plsc.VectorSubcoreMesh(
            core_axis_name="c", subcore_axis_name="s",
            num_cores=_NC, num_subcores=_NS),
        scratch_types=[
            pltpu.VMEM((_SPW, B), jnp.int32),
            pltpu.VMEM((1, B), jnp.int32),
            pltpu.VMEM((B, D), jnp.float32),
            pltpu.VMEM((B, D), jnp.float32),
            pltpu.SemaphoreType.DMA,
            pltpu.SemaphoreType.DMA,
        ],
        compiler_params=pltpu.CompilerParams(use_tc_tiling_on_sc=True),
    )


def kernel(x):
    fidx = _topk_perm(_scores())
    bcol = lax.broadcasted_iota(jnp.int32, (1, B), 1)
    fidx_flat = fidx.T * B + bcol
    x_flat = jnp.swapaxes(x, 0, 1).reshape(N * B, D)
    out_flat = _sc_gather_kernel()(x_flat, fidx_flat)
    return jnp.swapaxes(out_flat.reshape(OUT_T, B, D), 0, 1)

# --- scband reference (transcript-rebuilt; emitter-appended) ---
"""Pipeline reference for scband-patch-dropout-987842478293 (READ-ONLY COPY).

The authoritative reference and input builder live on the scoring server;
editing this copy changes nothing except your own understanding.
"""

import jax, jax.numpy as jnp
import numpy as np

PROB = 0.5
EXCLUDE_FIRST_TOKEN = True


def setup_inputs(seed: int = 0) -> dict:
    key = jax.random.key(seed)
    x = jax.random.normal(key, (64, 1025, 768), dtype=jnp.float32)
    return {"x": x}


def reference(x):
    # PatchDropout forward (https://arxiv.org/abs/2212.00794)
    if EXCLUDE_FIRST_TOKEN:
        cls_tokens = x[:, :1]
        rest = x[:, 1:]
    else:
        cls_tokens = x[:, :1]
        rest = x
    batch = rest.shape[0]
    num_tokens = rest.shape[1]
    keep_prob = 1.0 - PROB
    num_patches_keep = max(1, int(num_tokens * keep_prob))
    # torch.randn(batch, num_tokens) -> fixed-key normal scores
    rand = jax.random.normal(jax.random.key(42), (batch, num_tokens), dtype=jnp.float32)
    _, patch_indices_keep = jax.lax.top_k(rand, num_patches_keep)
    # x[batch_indices, patch_indices_keep] == take_along_axis over token dim
    gathered = jnp.take_along_axis(rest, patch_indices_keep[..., None], axis=1)
    if EXCLUDE_FIRST_TOKEN:
        out = jnp.concatenate([cls_tokens, gathered], axis=1)
    else:
        out = gathered
    return out

if __name__ == "__main__":
    import jax
    _d = setup_inputs()
    print(jax.jit(kernel)(*tuple(_d.values())))

</pallas_src>

<mosaic_0001>
#map = affine_map<(d0, d1) -> (0, 0)>
module attributes {stable_mosaic.version = 14 : i64} {
  func.func @_sc_gather_body(%arg0: i32, %arg1: i32, %arg2: memref<65600x768xf32, #tpu.memory_space<hbm>>, %arg3: memref<1024x64xi32, #tpu.memory_space<hbm>>, %arg4: memref<32832x768xf32, #tpu.memory_space<hbm>>, %arg5: memref<16x64xi32, #tpu.memory_space<vmem>>, %arg6: memref<1x64xi32, #tpu.memory_space<vmem>>, %arg7: memref<64x768xf32, #tpu.memory_space<vmem>>, %arg8: memref<64x768xf32, #tpu.memory_space<vmem>>, %arg9: memref<!tpu.dma_semaphore, #tpu.memory_space<semaphore_mem>>, %arg10: memref<!tpu.dma_semaphore, #tpu.memory_space<semaphore_mem>>) attributes {dimension_semantics = [#tpu.dimension_semantics<core_parallel>, #tpu.dimension_semantics<subcore_parallel>], iteration_bounds = array<i64: 2, 16>, scalar_prefetch = 0 : i64, scratch_operands = 6 : i64, tpu.core_type = #tpu.core_type<sc_vector_subcore>, window_params = [{transform_indices = #map}, {transform_indices = #map}, {transform_indices = #map}]} {
    %mul3A = arith.constant 2 : i32
    %mul3A_0 = arith.muli %arg1, %mul3A : i32
    %add3A = arith.addi %mul3A_0, %arg0 : i32
    %mul3A_1 = arith.constant 16 : i32
    %mul3A_2 = arith.muli %add3A, %mul3A_1 : i32
    "tpu.region"() ({
      %run_scoped3A = tpu.sem_alloc : memref<!tpu.dma_semaphore, #tpu.memory_space<semaphore_mem>>
      %dma_start3A = arith.constant 0 : i32
      %dma_start3A_11 = tpu.memref_slice %arg3[%mul3A_2, %dma_start3A] : memref<1024x64xi32, #tpu.memory_space<hbm>> -> memref<16x64xi32, #tpu.memory_space<hbm>>
      %dma_start3A_12 = arith.constant 0 : i32
      %dma_start3A_13 = tpu.memref_slice %arg3[%mul3A_2, %dma_start3A_12] : memref<1024x64xi32, #tpu.memory_space<hbm>> -> memref<16x64xi32, #tpu.memory_space<hbm>>
      tpu.enqueue_dma source(%dma_start3A_13 : memref<16x64xi32, #tpu.memory_space<hbm>>) target(%arg5 : memref<16x64xi32, #tpu.memory_space<vmem>>) target_semaphore(%run_scoped3A : memref<!tpu.dma_semaphore, #tpu.memory_space<semaphore_mem>>)
      %dma_wait3A = arith.constant 0 : i32
      %dma_wait3A_14 = tpu.memref_slice %arg3[%mul3A_2, %dma_wait3A] : memref<1024x64xi32, #tpu.memory_space<hbm>> -> memref<16x64xi32, #tpu.memory_space<hbm>>
      %dma_wait3A_15 = arith.constant 0 : i32
      %dma_wait3A_16 = tpu.memref_slice %arg3[%mul3A_2, %dma_wait3A_15] : memref<1024x64xi32, #tpu.memory_space<hbm>> -> memref<16x64xi32, #tpu.memory_space<hbm>>
      tpu.wait_dma2 semaphore(%run_scoped3A : memref<!tpu.dma_semaphore, #tpu.memory_space<semaphore_mem>>) src(%dma_wait3A_16 : memref<16x64xi32, #tpu.memory_space<hbm>>) dst(%arg5 : memref<16x64xi32, #tpu.memory_space<vmem>>)
      tpu.yield
    }) : () -> ()
    %scan3A = arith.constant 0 : i32
    %scan3A_3 = arith.constant 0 : i32
    %scan3A_4 = arith.constant 8 : i32
    %scan3A_5 = arith.addi %scan3A_3, %scan3A_4 : i32
    %scan3A_6 = arith.constant 1 : i32
    %scan3A_7 = scf.for %scan3A_11 = %scan3A_3 to %scan3A_5 step %scan3A_6 iter_args(%scan3A_12 = %scan3A) -> (i32)  : i32 {
      %mul3A_13 = arith.constant 2 : i32
      %mul3A_14 = arith.muli %scan3A_11, %mul3A_13 : i32
      %add3A_15 = arith.constant 1 : i32
      %add3A_16 = arith.addi %mul3A_14, %add3A_15 : i32
      %dma_start3A = arith.constant 0 : i32
      %dma_start3A_17 = tpu.memref_slice %arg5[%mul3A_14, %dma_start3A] : memref<16x64xi32, #tpu.memory_space<vmem>> -> memref<1x64xi32, #tpu.memory_space<vmem>>
      %dma_start3A_18 = tpu.memref_squeeze %dma_start3A_17 : memref<1x64xi32, #tpu.memory_space<vmem>> -> memref<64xi32, #tpu.memory_space<vmem>>
      %dma_start3A_19 = arith.constant 0 : i32
      %dma_start3A_20 = arith.constant 0 : i32
      %dma_start3A_21 = tpu.memref_slice %arg2[%dma_start3A_19, %dma_start3A_20] : memref<65600x768xf32, #tpu.memory_space<hbm>> -> memref<65600x768xf32, #tpu.memory_space<hbm>>
      tpu.enqueue_indirect_dma source(%dma_start3A_21 : memref<65600x768xf32, #tpu.memory_space<hbm>>) target(%arg7 : memref<64x768xf32, #tpu.memory_space<vmem>>) offsets(%dma_start3A_18 : memref<64xi32, #tpu.memory_space<vmem>>) semaphore(%arg9 : memref<!tpu.dma_semaphore, #tpu.memory_space<semaphore_mem>>)
      %dma_start3A_22 = arith.constant 0 : i32
      %dma_start3A_23 = tpu.memref_slice %arg5[%add3A_16, %dma_start3A_22] : memref<16x64xi32, #tpu.memory_space<vmem>> -> memref<1x64xi32, #tpu.memory_space<vmem>>
      %dma_start3A_24 = tpu.memref_squeeze %dma_start3A_23 : memref<1x64xi32, #tpu.memory_space<vmem>> -> memref<64xi32, #tpu.memory_space<vmem>>
      %dma_start3A_25 = arith.constant 0 : i32
      %dma_start3A_26 = arith.constant 0 : i32
      %dma_start3A_27 = tpu.memref_slice %arg2[%dma_start3A_25, %dma_start3A_26] : memref<65600x768xf32, #tpu.memory_space<hbm>> -> memref<65600x768xf32, #tpu.memory_space<hbm>>
      tpu.enqueue_indirect_dma source(%dma_start3A_27 : memref<65600x768xf32, #tpu.memory_space<hbm>>) target(%arg8 : memref<64x768xf32, #tpu.memory_space<vmem>>) offsets(%dma_start3A_24 : memref<64xi32, #tpu.memory_space<vmem>>) semaphore(%arg10 : memref<!tpu.dma_semaphore, #tpu.memory_space<semaphore_mem>>)
      %dma_wait3A = arith.constant 0 : i32
      %dma_wait3A_28 = tpu.memref_slice %arg5[%mul3A_14, %dma_wait3A] : memref<16x64xi32, #tpu.memory_space<vmem>> -> memref<1x64xi32, #tpu.memory_space<vmem>>
      %dma_wait3A_29 = tpu.memref_squeeze %dma_wait3A_28 : memref<1x64xi32, #tpu.memory_space<vmem>> -> memref<64xi32, #tpu.memory_space<vmem>>
      %dma_wait3A_30 = arith.constant 0 : i32
      %dma_wait3A_31 = arith.constant 0 : i32
      %dma_wait3A_32 = tpu.memref_slice %arg2[%dma_wait3A_30, %dma_wait3A_31] : memref<65600x768xf32, #tpu.memory_space<hbm>> -> memref<65600x768xf32, #tpu.memory_space<hbm>>
      tpu.wait_indirect_dma semaphore(%arg9 : memref<!tpu.dma_semaphore, #tpu.memory_space<semaphore_mem>>) src(%dma_wait3A_32 : memref<65600x768xf32, #tpu.memory_space<hbm>>) dst(%arg7 : memref<64x768xf32, #tpu.memory_space<vmem>>)
      %add3A_33 = arith.addi %mul3A_2, %mul3A_14 : i32
      %mul3A_34 = arith.constant 64 : i32
      %mul3A_35 = arith.muli %add3A_33, %mul3A_34 : i32
      "tpu.region"() ({
        %run_scoped3A = tpu.sem_alloc : memref<!tpu.dma_semaphore, #tpu.memory_space<semaphore_mem>>
        %dma_start3A_46 = arith.constant 0 : i32
        %dma_start3A_47 = tpu.memref_slice %arg4[%mul3A_35, %dma_start3A_46] : memref<32832x768xf32, #tpu.memory_space<hbm>> -> memref<64x768xf32, #tpu.memory_space<hbm>>
        %dma_start3A_48 = arith.constant 0 : i32
        %dma_start3A_49 = tpu.memref_slice %arg4[%mul3A_35, %dma_start3A_48] : memref<32832x768xf32, #tpu.memory_space<hbm>> -> memref<64x768xf32, #tpu.memory_space<hbm>>
        tpu.enqueue_dma source(%arg7 : memref<64x768xf32, #tpu.memory_space<vmem>>) target(%dma_start3A_49 : memref<64x768xf32, #tpu.memory_space<hbm>>) target_semaphore(%run_scoped3A : memref<!tpu.dma_semaphore, #tpu.memory_space<semaphore_mem>>)
        %dma_wait3A_50 = arith.constant 0 : i32
        %dma_wait3A_51 = tpu.memref_slice %arg4[%mul3A_35, %dma_wait3A_50] : memref<32832x768xf32, #tpu.memory_space<hbm>> -> memref<64x768xf32, #tpu.memory_space<hbm>>
        %dma_wait3A_52 = arith.constant 0 : i32
        %dma_wait3A_53 = tpu.memref_slice %arg4[%mul3A_35, %dma_wait3A_52] : memref<32832x768xf32, #tpu.memory_space<hbm>> -> memref<64x768xf32, #tpu.memory_space<hbm>>
        tpu.wait_dma2 semaphore(%run_scoped3A : memref<!tpu.dma_semaphore, #tpu.memory_space<semaphore_mem>>) src(%arg7 : memref<64x768xf32, #tpu.memory_space<vmem>>) dst(%dma_wait3A_53 : memref<64x768xf32, #tpu.memory_space<hbm>>)
        tpu.yield
      }) : () -> ()
      %dma_wait3A_36 = arith.constant 0 : i32
      %dma_wait3A_37 = tpu.memref_slice %arg5[%add3A_16, %dma_wait3A_36] : memref<16x64xi32, #tpu.memory_space<vmem>> -> memref<1x64xi32, #tpu.memory_space<vmem>>
      %dma_wait3A_38 = tpu.memref_squeeze %dma_wait3A_37 : memref<1x64xi32, #tpu.memory_space<vmem>> -> memref<64xi32, #tpu.memory_space<vmem>>
      %dma_wait3A_39 = arith.constant 0 : i32
      %dma_wait3A_40 = arith.constant 0 : i32
      %dma_wait3A_41 = tpu.memref_slice %arg2[%dma_wait3A_39, %dma_wait3A_40] : memref<65600x768xf32, #tpu.memory_space<hbm>> -> memref<65600x768xf32, #tpu.memory_space<hbm>>
      tpu.wait_indirect_dma semaphore(%arg10 : memref<!tpu.dma_semaphore, #tpu.memory_space<semaphore_mem>>) src(%dma_wait3A_41 : memref<65600x768xf32, #tpu.memory_space<hbm>>) dst(%arg8 : memref<64x768xf32, #tpu.memory_space<vmem>>)
      %add3A_42 = arith.addi %mul3A_2, %add3A_16 : i32
      %mul3A_43 = arith.constant 64 : i32
      %mul3A_44 = arith.muli %add3A_42, %mul3A_43 : i32
      "tpu.region"() ({
        %run_scoped3A = tpu.sem_alloc : memref<!tpu.dma_semaphore, #tpu.memory_space<semaphore_mem>>
        %dma_start3A_46 = arith.constant 0 : i32
        %dma_start3A_47 = tpu.memref_slice %arg4[%mul3A_44, %dma_start3A_46] : memref<32832x768xf32, #tpu.memory_space<hbm>> -> memref<64x768xf32, #tpu.memory_space<hbm>>
        %dma_start3A_48 = arith.constant 0 : i32
        %dma_start3A_49 = tpu.memref_slice %arg4[%mul3A_44, %dma_start3A_48] : memref<32832x768xf32, #tpu.memory_space<hbm>> -> memref<64x768xf32, #tpu.memory_space<hbm>>
        tpu.enqueue_dma source(%arg8 : memref<64x768xf32, #tpu.memory_space<vmem>>) target(%dma_start3A_49 : memref<64x768xf32, #tpu.memory_space<hbm>>) target_semaphore(%run_scoped3A : memref<!tpu.dma_semaphore, #tpu.memory_space<semaphore_mem>>)
        %dma_wait3A_50 = arith.constant 0 : i32
        %dma_wait3A_51 = tpu.memref_slice %arg4[%mul3A_44, %dma_wait3A_50] : memref<32832x768xf32, #tpu.memory_space<hbm>> -> memref<64x768xf32, #tpu.memory_space<hbm>>
        %dma_wait3A_52 = arith.constant 0 : i32
        %dma_wait3A_53 = tpu.memref_slice %arg4[%mul3A_44, %dma_wait3A_52] : memref<32832x768xf32, #tpu.memory_space<hbm>> -> memref<64x768xf32, #tpu.memory_space<hbm>>
        tpu.wait_dma2 semaphore(%run_scoped3A : memref<!tpu.dma_semaphore, #tpu.memory_space<semaphore_mem>>) src(%arg8 : memref<64x768xf32, #tpu.memory_space<vmem>>) dst(%dma_wait3A_53 : memref<64x768xf32, #tpu.memory_space<hbm>>)
        tpu.yield
      }) : () -> ()
      %scan3A_45 = arith.constant 0 : i32
      scf.yield %scan3A_45 : i32
    }
    %scan3A_8 = arith.constant 8 : i32
    %eq3A = arith.constant 31 : i32
    %eq3A_9 = arith.cmpi eq, %add3A, %eq3A : i32
    %convert_element_type3A = arith.extui %eq3A_9 : i1 to i32
    %cond3A = arith.constant 0 : i32
    %cond3A_10 = arith.cmpi ne, %convert_element_type3A, %cond3A : i32
    scf.if %cond3A_10 {
      "tpu.region"() ({
        %run_scoped3A = tpu.sem_alloc : memref<!tpu.dma_semaphore, #tpu.memory_space<semaphore_mem>>
        %dma_start3A_23 = arith.constant 512 : i32
        %dma_start3A_24 = arith.constant 0 : i32
        %dma_start3A_25 = tpu.memref_slice %arg3[%dma_start3A_23, %dma_start3A_24] : memref<1024x64xi32, #tpu.memory_space<hbm>> -> memref<1x64xi32, #tpu.memory_space<hbm>>
        %dma_start3A_26 = arith.constant 512 : i32
        %dma_start3A_27 = arith.constant 0 : i32
        %dma_start3A_28 = tpu.memref_slice %arg3[%dma_start3A_26, %dma_start3A_27] : memref<1024x64xi32, #tpu.memory_space<hbm>> -> memref<1x64xi32, #tpu.memory_space<hbm>>
        tpu.enqueue_dma source(%dma_start3A_28 : memref<1x64xi32, #tpu.memory_space<hbm>>) target(%arg6 : memref<1x64xi32, #tpu.memory_space<vmem>>) target_semaphore(%run_scoped3A : memref<!tpu.dma_semaphore, #tpu.memory_space<semaphore_mem>>)
        %dma_wait3A_29 = arith.constant 512 : i32
        %dma_wait3A_30 = arith.constant 0 : i32
        %dma_wait3A_31 = tpu.memref_slice %arg3[%dma_wait3A_29, %dma_wait3A_30] : memref<1024x64xi32, #tpu.memory_space<hbm>> -> memref<1x64xi32, #tpu.memory_space<hbm>>
        %dma_wait3A_32 = arith.constant 512 : i32
        %dma_wait3A_33 = arith.constant 0 : i32
        %dma_wait3A_34 = tpu.memref_slice %arg3[%dma_wait3A_32, %dma_wait3A_33] : memref<1024x64xi32, #tpu.memory_space<hbm>> -> memref<1x64xi32, #tpu.memory_space<hbm>>
        tpu.wait_dma2 semaphore(%run_scoped3A : memref<!tpu.dma_semaphore, #tpu.memory_space<semaphore_mem>>) src(%dma_wait3A_34 : memref<1x64xi32, #tpu.memory_space<hbm>>) dst(%arg6 : memref<1x64xi32, #tpu.memory_space<vmem>>)
        tpu.yield
      }) : () -> ()
      %dma_start3A = arith.constant 0 : i32
      %dma_start3A_11 = arith.constant 0 : i32
      %dma_start3A_12 = tpu.memref_slice %arg6[%dma_start3A, %dma_start3A_11] : memref<1x64xi32, #tpu.memory_space<vmem>> -> memref<1x64xi32, #tpu.memory_space<vmem>>
      %dma_start3A_13 = tpu.memref_squeeze %dma_start3A_12 : memref<1x64xi32, #tpu.memory_space<vmem>> -> memref<64xi32, #tpu.memory_space<vmem>>
      %dma_start3A_14 = arith.constant 0 : i32
      %dma_start3A_15 = arith.constant 0 : i32
      %dma_start3A_16 = tpu.memref_slice %arg2[%dma_start3A_14, %dma_start3A_15] : memref<65600x768xf32, #tpu.memory_space<hbm>> -> memref<65600x768xf32, #tpu.memory_space<hbm>>
      tpu.enqueue_indirect_dma source(%dma_start3A_16 : memref<65600x768xf32, #tpu.memory_space<hbm>>) target(%arg7 : memref<64x768xf32, #tpu.memory_space<vmem>>) offsets(%dma_start3A_13 : memref<64xi32, #tpu.memory_space<vmem>>) semaphore(%arg9 : memref<!tpu.dma_semaphore, #tpu.memory_space<semaphore_mem>>)
      %dma_wait3A = arith.constant 0 : i32
      %dma_wait3A_17 = arith.constant 0 : i32
      %dma_wait3A_18 = tpu.memref_slice %arg6[%dma_wait3A, %dma_wait3A_17] : memref<1x64xi32, #tpu.memory_space<vmem>> -> memref<1x64xi32, #tpu.memory_space<vmem>>
      %dma_wait3A_19 = tpu.memref_squeeze %dma_wait3A_18 : memref<1x64xi32, #tpu.memory_space<vmem>> -> memref<64xi32, #tpu.memory_space<vmem>>
      %dma_wait3A_20 = arith.constant 0 : i32
      %dma_wait3A_21 = arith.constant 0 : i32
      %dma_wait3A_22 = tpu.memref_slice %arg2[%dma_wait3A_20, %dma_wait3A_21] : memref<65600x768xf32, #tpu.memory_space<hbm>> -> memref<65600x768xf32, #tpu.memory_space<hbm>>
      tpu.wait_indirect_dma semaphore(%arg9 : memref<!tpu.dma_semaphore, #tpu.memory_space<semaphore_mem>>) src(%dma_wait3A_22 : memref<65600x768xf32, #tpu.memory_space<hbm>>) dst(%arg7 : memref<64x768xf32, #tpu.memory_space<vmem>>)
      "tpu.region"() ({
        %run_scoped3A = tpu.sem_alloc : memref<!tpu.dma_semaphore, #tpu.memory_space<semaphore_mem>>
        %dma_start3A_23 = arith.constant 32768 : i32
        %dma_start3A_24 = arith.constant 0 : i32
        %dma_start3A_25 = tpu.memref_slice %arg4[%dma_start3A_23, %dma_start3A_24] : memref<32832x768xf32, #tpu.memory_space<hbm>> -> memref<64x768xf32, #tpu.memory_space<hbm>>
        %dma_start3A_26 = arith.constant 32768 : i32
        %dma_start3A_27 = arith.constant 0 : i32
        %dma_start3A_28 = tpu.memref_slice %arg4[%dma_start3A_26, %dma_start3A_27] : memref<32832x768xf32, #tpu.memory_space<hbm>> -> memref<64x768xf32, #tpu.memory_space<hbm>>
        tpu.enqueue_dma source(%arg7 : memref<64x768xf32, #tpu.memory_space<vmem>>) target(%dma_start3A_28 : memref<64x768xf32, #tpu.memory_space<hbm>>) target_semaphore(%run_scoped3A : memref<!tpu.dma_semaphore, #tpu.memory_space<semaphore_mem>>)
        %dma_wait3A_29 = arith.constant 32768 : i32
        %dma_wait3A_30 = arith.constant 0 : i32
        %dma_wait3A_31 = tpu.memref_slice %arg4[%dma_wait3A_29, %dma_wait3A_30] : memref<32832x768xf32, #tpu.memory_space<hbm>> -> memref<64x768xf32, #tpu.memory_space<hbm>>
        %dma_wait3A_32 = arith.constant 32768 : i32
        %dma_wait3A_33 = arith.constant 0 : i32
        %dma_wait3A_34 = tpu.memref_slice %arg4[%dma_wait3A_32, %dma_wait3A_33] : memref<32832x768xf32, #tpu.memory_space<hbm>> -> memref<64x768xf32, #tpu.memory_space<hbm>>
        tpu.wait_dma2 semaphore(%run_scoped3A : memref<!tpu.dma_semaphore, #tpu.memory_space<semaphore_mem>>) src(%arg7 : memref<64x768xf32, #tpu.memory_space<vmem>>) dst(%dma_wait3A_34 : memref<64x768xf32, #tpu.memory_space<hbm>>)
        tpu.yield
      }) : () -> ()
    } else {
    }
    return
  }
}

module attributes {stable_mosaic.version = 14 : i64} {
  func.func @_topk_perm_body(%arg0: i32, %arg1: memref<1x1x1024xf32, #tpu.memory_space<vmem>>, %arg2: memref<1x1x1024xi32, #tpu.memory_space<vmem>>) attributes {dimension_semantics = [#tpu.dimension_semantics<arbitrary>], iteration_bounds = array<i64: 64>, scalar_prefetch = 0 : i64, scratch_operands = 0 : i64, tpu.core_type = #tpu.core_type<tc>, window_params = [{transform_indices = @transform_0, window_bounds = array<i64: 1, 1, 1024>}, {transform_indices = @transform_1, window_bounds = array<i64: 1, 1, 1024>}]} {
    %get3A = arith.constant 0 : index
    %get3A_0 = arith.constant 0 : index
    %get3A_1 = arith.constant 0 : index
    %get3A_2 = vector.load %arg1[%get3A, %get3A_0, %get3A_1] : memref<1x1x1024xf32, #tpu.memory_space<vmem>>, vector<1x1x1024xf32>
    %reshape3A = vector.shape_cast %get3A_2 : vector<1x1x1024xf32> to vector<1x1024xf32>
    %reshape3A_3 = vector.shape_cast %reshape3A : vector<1x1024xf32> to vector<1024x1xf32>
    %gt3A = vector.broadcast %reshape3A : vector<1x1024xf32> to vector<1024x1024xf32>
    %gt3A_4 = vector.broadcast %reshape3A_3 : vector<1024x1xf32> to vector<1024x1024xf32>
    %gt3A_5 = arith.cmpf ogt, %gt3A, %gt3A_4 : vector<1024x1024xf32>
    %convert_element_type3A = arith.extui %gt3A_5 : vector<1024x1024xi1> to vector<1024x1024xi32>
    %reduce_sum3A = arith.constant dense<0> : vector<1024xi32>
    %reduce_sum3A_6 = vector.multi_reduction <add>, %convert_element_type3A, %reduce_sum3A [1] : vector<1024x1024xi32> to vector<1024xi32>
    %broadcast_in_dim3A = vector.shape_cast %reduce_sum3A_6 : vector<1024xi32> to vector<1024x1xi32>
    %iota3A = tpu.iota {dimensions = array<i32: 1>} : vector<1x1024xi32>
    %sub3A = arith.constant 1 : i32
    %sub3A_7 = vector.broadcast %sub3A : i32 to vector<1x1024xi32>
    %sub3A_8 = arith.subi %iota3A, %sub3A_7 : vector<1x1024xi32>
    %eq3A = vector.broadcast %broadcast_in_dim3A : vector<1024x1xi32> to vector<1024x1024xi32>
    %eq3A_9 = vector.broadcast %sub3A_8 : vector<1x1024xi32> to vector<1024x1024xi32>
    %eq3A_10 = arith.cmpi eq, %eq3A, %eq3A_9 : vector<1024x1024xi32>
    %convert_element_type3A_11 = arith.extui %eq3A_10 : vector<1024x1024xi1> to vector<1024x1024xi32>
    %iota3A_12 = tpu.iota {dimensions = array<i32: 0>} : vector<1024x1xi32>
    %add3A = arith.constant 1 : i32
    %add3A_13 = vector.broadcast %add3A : i32 to vector<1024x1xi32>
    %add3A_14 = arith.addi %iota3A_12, %add3A_13 : vector<1024x1xi32>
    %mul3A = vector.broadcast %add3A_14 : vector<1024x1xi32> to vector<1024x1024xi32>
    %mul3A_15 = arith.muli %convert_element_type3A_11, %mul3A : vector<1024x1024xi32>
    %reduce_sum3A_16 = arith.constant dense<0> : vector<1024xi32>
    %reduce_sum3A_17 = vector.multi_reduction <add>, %mul3A_15, %reduce_sum3A_16 [0] : vector<1024x1024xi32> to vector<1024xi32>
    %broadcast_in_dim3A_18 = vector.shape_cast %reduce_sum3A_17 : vector<1024xi32> to vector<1x1024xi32>
    %eq3A_19 = arith.constant 0 : i32
    %eq3A_20 = vector.broadcast %eq3A_19 : i32 to vector<1x1024xi32>
    %eq3A_21 = arith.cmpi eq, %iota3A, %eq3A_20 : vector<1x1024xi32>
    %jit3A = arith.constant 0 : i32
    %broadcast_in_dim3A_22 = vector.broadcast %jit3A : i32 to vector<1x1024xi32>
    %select_n3A = arith.select %eq3A_21, %broadcast_in_dim3A_22, %broadcast_in_dim3A_18 : vector<1x1024xi1>, vector<1x1024xi32>
    %reshape3A_23 = vector.shape_cast %select_n3A : vector<1x1024xi32> to vector<1x1x1024xi32>
    %swap3A = arith.constant 0 : index
    %swap3A_24 = arith.constant 0 : index
    %swap3A_25 = arith.constant 0 : index
    %swap3A_26 = vector.load %arg2[%swap3A, %swap3A_24, %swap3A_25] : memref<1x1x1024xi32, #tpu.memory_space<vmem>>, vector<1x1x1024xi32>
    tpu.vector_store %arg2[%swap3A, %swap3A_24, %swap3A_25], %reshape3A_23 {strides = array<i32>} : memref<1x1x1024xi32, #tpu.memory_space<vmem>>, vector<1x1x1024xi32>,
    return
  }
  func.func @transform_0(%arg0: i32) -> (i32, i32, i32) {
    %c0_i32 = arith.constant 0 : i32
    %c0_i32_0 = arith.constant 0 : i32
    %c0_i32_1 = arith.constant 0 : i32
    return %arg0, %c0_i32, %c0_i32_0 : i32, i32, i32
  }
  func.func @transform_1(%arg0: i32) -> (i32, i32, i32) {
    %c0_i32 = arith.constant 0 : i32
    %c0_i32_0 = arith.constant 0 : i32
    %c0_i32_1 = arith.constant 0 : i32
    return %arg0, %c0_i32, %c0_i32_0 : i32, i32, i32
  }
}

</mosaic_0001>

<sc_bundles>
// kernel: kernel.4.cloned.1.call-start
scs
__scs_entry_jumppad:
0x0: {  	(pc) =	sbr.rel $0x88, $3  }
0x1: {  	(tag) =	ssettag $0x0;
	lr =	simm.s32 $0x1  }
0x2: {  	[smem:$0x3FA0] =	sst lr;
	_ =	strace $0xD0000000  }
0x3: {  	_ = 	snop  }
0x4: {  	_ = 	snop  }
0x5: {  	_ = 	snop  }
0x6: {  	_ = 	snop  }
0x7: {  	_ = 	snop  }
__scs_overlays_trampoline_lowered:
0x8: {  	[smem:$0x3FAF] =	sst s0  }
0x9: {  	[smem:$0x3FB0] =	sst s1  }
0xa: {  	[smem:$0x3FB1] =	sst s2  }
0xb: {  	[smem:$0x3FB2] =	sst s3  }
0xc: {  	[smem:$0x3FB3] =	sst s4  }
0xd: {  	[smem:$0x3FB4] =	sst s5  }
0xe: {  	[smem:$0x3FB5] =	sst s6  }
0xf: {  	[smem:$0x3FB6] =	sst s7  }
0x10: {  	[smem:$0x3FB7] =	sst s8  }
0x11: {  	[smem:$0x3FB8] =	sst s9;
	s0 =	simm.s32 @!p0 $0x0  }
0x12: {  	s1 =	sld [smem:$0x3F9E];
	s0 =	simm.s32 @p0 $0x1  }
0x13: {  	[smem:$0x3FB9] =	sst s0;
	s0 =	simm.s32 @!p1 $0x0  }
0x14: {  	s2 =	sld [smem:$0x3F9D];
	s0 =	simm.s32 @p1 $0x1  }
0x15: {  	[smem:$0x3FBA] =	sst s0;
	s0 =	simm.s32 @!p2 $0x0  }
0x16: {  	s3 =	sld [smem:$0x3FDB];
	s0 =	simm.s32 @p2 $0x1  }
0x17: {  	s4 =	simm.s32 $0x1BF5;
	[smem:$0x3FBC] =	sst s0  }
0x18: {  	s0 =	sld [smem:$0x3F9F];
	_ =	swait.ge [sflag:s4], $0x0  }
0x19: {  	s7 =	sld [smem:$0x3FA0]  }
0x1a: {  	s8 =	sadd.s32 $0xFFFFE003, lr  }
0x1b: {  	s9 =	sadd.s32 $0xFFFFFEF7, lr;
	s5 =	simm.s32 $0xFFFFFFFF;
	p2 =	slt.u32 s8, $0xFFFFF086  }
0x1c: {  	p1 =	slt.u32 s9, $0xF7A;
	s5 =	simm.s32 @!p2 $0x0  }
0x1d: {  	s5 =	simm.s32 @p1 $0x1;
	p0 =	seq.s32 s7, s2  }
0x1e: {  	s7 =	smul.u32 @!p0 $0xF7A, s2;
	p2 =	seq.s32 @!p0 s5, $0x0  }
0x1f: {  	s9 =	smul.u32 $0xF7A, s1;
	s8 =	simm.s32 @!p0 $0x1BF5;
	p2 =	por !p2, p0  }
0x20: {  	[sflag:s8] =	ssyncset.s32 @!p0 $0xFFFFF086;
	s6 =	sadd.s32 @!p0 s3, s7;
	s7 =	simm.s32 @!p0 $0x108  }
0x21: {  	s3 =	sadd.s32 s3, s9;
	s6 =	sadd.s32 @!p0 $0x88, s6;
	s7 =	simm.s32 @p2 $0x1082  }
0x22: {  	[simem:s7], [sflag:s8] =	dma.local @!p0 [hbm:s6], $0xF7A  }
0x23: {  	s9 =	sor.u32 $0xD0000000, s2;
	s6 =	simm.s32 $0x108;
	_ =	swait.ge @!p0 [sflag:s8], $0x0  }
0x24: {  	s3 =	sadd.s32 $0x88, s3;
	s6 =	simm.s32 @!p1 $0x1082;
	[sflag:s4] =	ssyncset.s32 $0xFFFFF086  }
0x25: {  	[simem:s6], [sflag:s4] =	dma.local [hbm:s3], $0xF7A  }
0x26: {  	[smem:$0x3FA0] =	sst s1;
	(tag) =	ssettag s2;
	_ =	strace s9  }
0x27: {  	s1 =	sld [smem:$0x3FB0]  }
0x28: {  	s2 =	sld [smem:$0x3FB1]  }
0x29: {  	s4 =	sld [smem:$0x3FB3]  }
0x2a: {  	p0 =	seq.s32 s5, $0x0;
	s5 =	sld [smem:$0x3FB4]  }
0x2b: {  	s6 =	sld [smem:$0x3FB5]  }
0x2c: {  	s7 =	sld [smem:$0x3FB6]  }
0x2d: {  	s3 =	simm.s32 $0x108;
	s8 =	sld [smem:$0x3FB7]  }
0x2e: {  	s3 =	simm.s32 @!p0 $0x1082;
	s9 =	sld [smem:$0x3FB8]  }
0x2f: {  	lr =	sadd.s32 s0, s3;
	s0 =	sld [smem:$0x3FAF]  }
0x30: {  	s3 =	sld [smem:$0x3FB2]  }
0x31: {  	[smem:$0x3FBB] =	sst s10  }
0x32: {  	s10 =	sld [smem:$0x3FB9];
	_ =	sdelay $0x3  }
0x33: {  	p0 =	seq.s32 s10, $0x1;
	s10 =	sld [smem:$0x3FBB];
	_ =	sdelay $0x3  }
0x34: {  	[smem:$0x3FBB] =	sst s10  }
0x35: {  	s10 =	sld [smem:$0x3FBA];
	_ =	sdelay $0x3  }
0x36: {  	p1 =	seq.s32 s10, $0x1;
	s10 =	sld [smem:$0x3FBB];
	_ =	sdelay $0x3  }
0x37: {  	[smem:$0x3FBB] =	sst s10  }
0x38: {  	s10 =	sld [smem:$0x3FBC]  }
0x39: {  	_ = 	snop;
	(pc) =	sbr.ind lr, $3  }
0x3a: {  	_ = 	snop  }
0x3b: {  	_ = 	snop  }
0x3c: {  	p2 =	seq.s32 s10, $0x1;
	s10 =	sld [smem:$0x3FBB]  }
0x3d: {  	_ =	shalt  }
0x3e: {  	_ =	shalt  }
0x3f: {  	_ =	shalt  }
0x40: {  	_ =	shalt  }
0x41: {  	_ =	shalt  }
0x42: {  	_ =	shalt  }
0x43: {  	_ =	shalt  }
0x44: {  	_ =	shalt  }
0x45: {  	_ =	shalt  }
0x46: {  	_ =	shalt  }
0x47: {  	_ =	shalt  }
0x48: {  	_ =	shalt  }
0x49: {  	_ =	shalt  }
0x4a: {  	_ =	shalt  }
0x4b: {  	_ =	shalt  }
0x4c: {  	_ =	shalt  }
0x4d: {  	_ =	shalt  }
0x4e: {  	_ =	shalt  }
0x4f: {  	_ =	shalt  }
0x50: {  	_ =	shalt  }
0x51: {  	_ =	shalt  }
0x52: {  	_ =	shalt  }
0x53: {  	_ =	shalt  }
0x54: {  	_ =	shalt  }
0x55: {  	_ =	shalt  }
0x56: {  	_ =	shalt  }
0x57: {  	_ =	shalt  }
0x58: {  	_ =	shalt  }
0x59: {  	_ =	shalt  }
0x5a: {  	_ =	shalt  }
0x5b: {  	_ =	shalt  }
0x5c: {  	_ =	shalt  }
0x5d: {  	_ =	shalt  }
0x5e: {  	_ =	shalt  }
0x5f: {  	_ =	shalt  }
0x60: {  	_ =	shalt  }
0x61: {  	_ =	shalt  }
0x62: {  	_ =	shalt  }
0x63: {  	_ =	shalt  }
0x64: {  	_ =	shalt  }
0x65: {  	_ =	shalt  }
0x66: {  	_ =	shalt  }
0x67: {  	_ =	shalt  }
0x68: {  	_ =	shalt  }
0x69: {  	_ =	shalt  }
0x6a: {  	_ =	shalt  }
0x6b: {  	_ =	shalt  }
0x6c: {  	_ =	shalt  }
0x6d: {  	_ =	shalt  }
0x6e: {  	_ =	shalt  }
0x6f: {  	_ =	shalt  }
0x70: {  	_ =	shalt  }
0x71: {  	_ =	shalt  }
0x72: {  	_ =	shalt  }
0x73: {  	_ =	shalt  }
0x74: {  	_ =	shalt  }
0x75: {  	_ =	shalt  }
0x76: {  	_ =	shalt  }
0x77: {  	_ =	shalt  }
0x78: {  	_ =	shalt  }
0x79: {  	_ =	shalt  }
0x7a: {  	_ =	shalt  }
0x7b: {  	_ =	shalt  }
0x7c: {  	_ =	shalt  }
0x7d: {  	_ =	shalt  }
0x7e: {  	_ =	shalt  }
0x7f: {  	_ =	shalt  }
0x80: {  	_ =	shalt  }
0x81: {  	_ =	shalt  }
0x82: {  	_ =	shalt  }
0x83: {  	_ =	shalt  }
0x84: {  	_ =	shalt  }
0x85: {  	_ =	shalt  }
0x86: {  	_ =	shalt  }
0x87: {  	_ =	shalt  }
.Lfunc_end0:
.L_simem_size_0:
called_computation_lowered:
.L_overlay_start_0:
0x88: {  	s2 =	sld [smem:$0x3FD9]  }
0x89: {  	s3 =	sld [smem:$0x3FFE];
	_ =	sdelay $0x1  }
0x8a: {  	s1 =	srdreg.scid  }
0x8b: {  	s0 =	sand.u32 $0x1, s1  }
0x8c: {  	s17 =	sshll.u32 s0, $0xA;
	s2 =	sadd.s32 s3, s2  }
0x8d: {  	s2 =	sadd.s32 s2, s17  }
0x8e: {  	[smem:$0x3FC7] =	sst s2  }
0x8f: {  	_ = 	snop  }
0x90: {  	s2 =	sld [smem:$0x3FC9]  }
0x91: {  	s18 =	sld [smem:$0x3FD0];
	(tm) =	ssettm $0x1  }
0x92: {  	s4 =	sld [smem:$0x3FFB];
	_ =	sdelay $0x3  }
0x93: {  	_ =	strace s4  }
0x94: {  	s4 =	sld [smem:$0x3FFC];
	_ =	sdelay $0x3  }
0x95: {  	_ =	strace s4  }
0x96: {  	s4 =	sld [smem:$0x3FFD];
	_ =	sdelay $0x3  }
0x97: {  	_ =	strace s4  }
0x98: {  	_ =	strace $0x8FFFFFFF  }
0x99: {  	s19 =	sld [smem:$0x3FDB];
	_ =	sdelay $0x1  }
0x9a: {  	s5 =	simm.s32 $_scs_section_size  }
0x9b: {  	s6 =	simm.s32 $_size__tile_overlayer_lowered;
	s7 =	simm.s32 $_tile_overlayer_lowered  }
0x9c: {  	s22 =	simm.s32 $0x1BFF;
	s21 =	sshll.u32 s7, $0x1;
	s4 =	sadd.s32 s5, s19  }
0x9d: {  	s8 =	simm.s32 $0x0;
	s20 =	sshll.u32 s6, $0x1;
	s6 =	sadd.s32 s21, s4  }
0x9e: {  	[timem:s8], [sflag:s22] =	dma.local [hbm:s6], s20  }
0x9f: {  	_ =	swait.ge [sflag:s22], s20  }
0xa0: {  	s5 =	ssub.s32 $0x0, s20;
	[sflag:s22] =	ssyncset.done $0x0  }
0xa1: {  	[sflag:s22] =	ssyncadd.s32 s5;
	_ =	sdelay $0x1  }
0xa2: {  	s23 =	simm.s32 $0x1B8B  }
0xa3: {  	_ =	swait.ge [sflag:s23], $0x1  }
0xa4: {  	[sflag:s23] =	ssyncset.done $0x0  }
0xa5: {  	s25 =	simm.s32 $0x1B8E;
	s24 =	sld [smem:$0x3FFE];
	[sflag:s23] =	ssyncadd.s32 $0xFFFFFFFF  }
0xa6: {  	s26 =	simm.s32 $execute0_lowered;
	[smem:$0x3FD2] =	sst s25  }
0xa7: {  	s6 =	sshll.u32 s26, $0x1;
	_ =	strace $0x80000046;
	[dreg:$0x1] =	wrdreg $0xFFFFFFFF  }
0xa8: {  	s28 =	simm.s32 $_size_execute0_lowered;
	s4 =	sadd.s32 s4, s6;
	[dreg:$0x0] =	wrdreg $0x0  }
0xa9: {  	s6 =	sshll.u32 s28, $0x1;
	[dreg:$0x2] =	wrdreg s4  }
0xaa: {  	[dreg:$0x3] =	wrdreg s6  }
0xab: {  	[dreg:$0x4] =	wrdreg $0xC0  }
0xac: {  	_ =	task [dreg:s8], $0x5FFFF  }
0xad: {  	[dreg:$0x1] =	wrdreg $0xFFFFFFFF  }
0xae: {  	[dreg:$0x0] =	wrdreg $0x60  }
0xaf: {  	[dreg:$0x2] =	wrdreg s2  }
0xb0: {  	[dreg:$0x3] =	wrdreg s24  }
0xb1: {  	[dreg:$0x4] =	wrdreg s18  }
0xb2: {  	[dreg:$0x5] =	wrdreg $0x9  }
0xb3: {  	_ =	task.clear_ibuf [dreg:s8], $0x6FFFF;
	_ =	strace $0x90000046  }
0xb4: {  	s29 =	simm.s32 $0x9;
	_ =	strace $0x80000048  }
0xb5: {  	_ =	swait.ge [sflag:s29], $0x1  }
0xb6: {  	[sflag:s29] =	ssyncadd.s32 $0xFFFFFFFF  }
0xb7: {  	_ =	strace $0x90000048  }
0xb8: {  	_ =	sfence  }
0xb9: {  	s30 =	sld [smem:$0x0];
	_ =	sdelay $0x2  }
0xba: {  	s31 =	sshll.u32 s1, $0xD;
	s1 =	sshrl.u32 s1, $0x2  }
0xbb: {  	s3 =	sand.u32 $0x4000, s31;
	s1 =	sadd.s32 s1, s30  }
0xbc: {  	s0 =	sor.u32 s3, s0;
	s1 =	sshll.u32 s1, $0x11  }
0xbd: {  	s0 =	sor.u32 s1, s0  }
0xbe: {  	s0 =	sadd.s32 $0x8F2B, s0  }
0xbf: {  	[sflag:s0] =	ssyncadd.remote.s32 $0x1  }
0xc0: {  	_ =	sfence.sel $0xFFFF  }
0xc1: {  	[dreg:$0x0] =	wrdreg $0xFFFFFFFF;
	(pc) =	sbr.abs _section_cstart, $3  }
0xc2: {  	[dreg:$0x1] =	wrdreg $0xFFFFFFFF  }
0xc3: {  	_ =	task.clear_ibuf [dreg:s8], $0x2FFFF;
	_ =	strace $0x9FFFFFFF  }
0xc4: {  	(tm) =	ssettm $0x7FFFFFFF  }
0xc5: {  	_ =	shalt  }
tec
execute0_lowered:
.L_overlay_start_1:
0x0: {  	(tag) =	ssettag $0x1  }
0x1: {  	s1 =	rddreg [dreg:$0x0]  }
0x2: {  	s2 =	rddreg [dreg:$0x1]  }
0x3: {  	s7 =	rddreg [dreg:$0x2];
	s3 =	simm.s32 $0x0  }
0x4: {  	s29 =	simm.s32 $0xD080;
	[smem:$0x7FF] =	sst s3  }
0x5: {  	s31 =	simm.s32 $0xD880;
	_ =	strace $0x80000047;
	[dreg:$0x6] =	wrdreg s29  }
0x6: {  	s11 =	simm.s32 $0xE880;
	[dreg:$0x7] =	wrdreg s31  }
0x7: {  	s12 =	simm.s32 $0xF080;
	[dreg:$0x9] =	wrdreg s11  }
0x8: {  	s13 =	simm.s32 $0xF880;
	[dreg:$0xa] =	wrdreg s12  }
0x9: {  	s14 =	simm.s32 $0x10080;
	[dreg:$0xb] =	wrdreg s13  }
0xa: {  	s15 =	simm.s32 $0x10880;
	[dreg:$0xc] =	wrdreg s14  }
0xb: {  	s0 =	srdreg.scid;
	s16 =	simm.s32 $0x11080;
	[dreg:$0xd] =	wrdreg s15  }
0xc: {  	s6 =	stileid.u32;
	s17 =	simm.s32 $0x11880;
	[dreg:$0xe] =	wrdreg s16  }
0xd: {  	s18 =	simm.s32 $0x12080;
	s19 =	simm.s32 $0x12880;
	[dreg:$0xf] =	wrdreg s17  }
0xe: {  	s20 =	simm.s32 $0x13080;
	s21 =	simm.s32 $0x13880;
	[dreg:$0x10] =	wrdreg s18  }
0xf: {  	s22 =	simm.s32 $0x14080;
	s23 =	simm.s32 $0x14880;
	[dreg:$0x11] =	wrdreg s19  }
0x10: {  	s24 =	simm.s32 $0x15080;
	s4 =	sand.u32 $0x1, s0;
	[dreg:$0x12] =	wrdreg s20  }
0x11: {  	s25 =	sshll.u32 s6, $0x5;
	s26 =	sshll.u32 s6, $0x1;
	[dreg:$0x13] =	wrdreg s21  }
0x12: {  	s6 =	smul.u32 $0x30000, s6;
	s5 =	sshll.u32 s4, $0x4;
	[dreg:$0x14] =	wrdreg s22  }
0x13: {  	s8 =	smul.u32 $0x18000, s4;
	s11 =	simm.s32 $0x880;
	[dreg:$0x15] =	wrdreg s23  }
0x14: {  	s15 =	simm.s32 $0x1080;
	s16 =	simm.s32 $0x1880;
	[dreg:$0x16] =	wrdreg s24  }
0x15: {  	s29 =	simm.s32 $0x17080;
	s31 =	simm.s32 $0x18080;
	s12 =	simm.s32 $0x2  }
0x16: {  	s0 =	sor.u32 s5, s25;
	s6 =	sadd.s32 s6, s7;
	[dreg:$0x1a] =	wrdreg s29  }
0x17: {  	s25 =	simm.s32 $0x15880;
	[dreg:$0x1c] =	wrdreg s31;
	s5 =	smul.u32 $0x1800, s0  }
0x18: {  	s0 =	sor.u32 s4, s26;
	s28 =	sadd.s32 s8, s6;
	[dreg:$0x17] =	wrdreg s25  }
0x19: {  	s4 =	ssub.s32 $0x2, s4;
	s8 =	simm.s32 $0xE080;
	[dreg:$0x5] =	wrdreg s28  }
0x1a: {  	s6 =	sadd.s32 $0x200, s1;
	s26 =	simm.s32 $0x16080;
	[dreg:$0x8] =	wrdreg s8  }
0x1b: {  	s9 =	sshll.u32 s0, $0x8;
	s30 =	sshrl.u32 s4, $0x1;
	[dreg:$0x18] =	wrdreg s26  }
0x1c: {  	s28 =	simm.s32 $0x16880;
	p0 =	sne.s32 s0, $0x1F;
	s5 =	sadd.s32 s5, s7  }
0x1d: {  	s9 =	sadd.s32 s9, s2;
	s2 =	sadd.s32 $0x2600, s2;
	[dreg:$0x19] =	wrdreg s28  }
0x1e: {  	s4 =	ssub.s32 s4, s30;
	s7 =	sadd.s32 $0x300000, s7;
	[dreg:$0x1e] =	wrdreg s2  }
.Ltmp0:
0x1f: {  	s30 =	simm.s32 $0x17880;
	[dreg:$0x1f] =	wrdreg s7;
	(pc) =	sbr.rel .LBB2_1-.Ltmp0, $4  }
0x20: {  	s8 =	simm.s32 $0x0;
	s5 =	sadd.s32 $0x1800, s5;
	[dreg:$0x1b] =	wrdreg s30  }
0x21: {  	v2 =	vlaneseq.u32;
	s10 =	sadd.s32 $0x600, s9;
	s4 =	smax.u32 s4, $0x1;
	[dreg:$0x4] =	wrdreg s5  }
0x22: {  	vm0 =	vmmov $0xffff;
	v1 =	vshrl.u32 v2, $0x3;
	s9 =	simm.s32 $0x1;
	[dreg:$0x1d] =	wrdreg s10;
	s5 =	sadd.s32 $0x100, s1  }
0x23: {  	v0 =	vand.u32 $0x7, v2;
	v2 =	vor.u32 $0x8, v2;
	v1 =	vmul.u32 $0x8, v1;
	[smem:$0x7FD] =	sst s4;
	s10 =	simm.s32 $0x3;
	s4 =	simm.s32 $0xC880  }
.LBB2_5:
0x24: {  	s13 =	sld [smem:$0x7FD];
	_ =	sdelay $0x1  }
0x25: {  	s8 =	sadd.s32 $0x1, s8  }
0x26: {  	p1 =	sne.s32 s8, s13  }
.Ltmp1:
0x27: {  	_ = 	snop;
	(pc) =	sbr.rel @!p1 .LBB2_6-.Ltmp1, $1  }
0x28: {  	_ =	sdelay $0x3  }
.LBB2_1:
0x29: {  	[smem:$0x7FC] =	sst s8  }
0x2a: {  	s13 =	rddreg [dreg:$0x1d];
	s2 =	simm.s32 $0x9080;
	s0 =	simm.s32 $0x9880  }
0x2b: {  	s7 =	simm.s32 $0xA080;
	s8 =	simm.s32 $0xA880;
	s18 =	simm.s32 $0xB080  }
0x2c: {  	s31 =	simm.s32 $0x8880;
	s30 =	simm.s32 $0x8080;
	s29 =	simm.s32 $0x7880  }
0x2d: {  	s28 =	simm.s32 $0x7080;
	s26 =	simm.s32 $0x6880;
	s25 =	simm.s32 $0x6080  }
0x2e: {  	s24 =	simm.s32 $0x5880;
	s23 =	simm.s32 $0x5080;
	s21 =	simm.s32 $0x4080  }
0x2f: {  	[tilespmem:s3], [sflag:$0x3] =	stream.linear.gather [hbm4b:s13+s3], $0x800, $0x38;
	[tilespmem:$0x18880] =	vst v63  }
0x30: {  	s19 =	simm.s32 $0x3080;
	s17 =	simm.s32 $0x2080;
	_ =	swait.ge [sflag:s10], $0x800  }
0x31: {  	s14 =	simm.s32 $0x0;
	s20 =	simm.s32 $0xB880;
	[sflag:s10] =	ssyncset.done $0x0  }
0x32: {  	s22 =	simm.s32 $0xC080;
	s13 =	simm.s32 $0x80;
	[sflag:s10] =	ssyncadd.s32 $0xFFFFF800  }
.LBB2_2:
0x33: {  	v3 =	vld [tilespmem:s13+$0xFFFFFF80];
	_ =	sdelay $0x4  }
0x34: {  	v4 =	vshrl.u32 v3, $0x3  }
0x35: {  	v4 =	vmul.u32 $0x30, v4  }
0x36: {  	v3 =	vand.u32 $0x7, v3  }
0x37: {  	v3 =	vor.u32 v3, v4  }
0x38: {  	v4 =	vperm.xlane v3, v0;
	_ =	sdelay $0x1  }
0x39: {  	v4 =	vadd.s32 v1, v4;
	_ =	sdelay $0x3  }
0x3a: {  	v3 =	vperm.xlane v3, v2  }
0x3b: {  	[tilespmem:s11], [sflag:$0x1] =	stream.indirect_vreg.gather [hbm4b:s1+s3], $0x80, v4, vm0, $0xb8;
	[tilespmem:$0x18880] =	vst v63  }
0x3c: {  	v3 =	vadd.s32 v1, v3  }
0x3d: {  	[tilespmem:s15], [sflag:$0x1] =	stream.indirect_vreg.gather [hbm4b:s5+s3], $0x80, v4, vm0, $0xb8;
	[tilespmem:$0x18880] =	vst v63  }
0x3e: {  	_ = 	snop  }
0x3f: {  	[tilespmem:s16], [sflag:$0x1] =	stream.indirect_vreg.gather [hbm4b:s6+s3], $0x80, v4, vm0, $0xb8;
	[tilespmem:$0x18880] =	vst v63  }
0x40: {  	_ = 	snop  }
0x41: {  	[tilespmem:s17], [sflag:$0x1] =	stream.indirect_vreg.gather [hbm4b:s1+s3], $0x80, v3, vm0, $0xb8;
	[tilespmem:$0x18880] =	vst v63  }
0x42: {  	s16 =	simm.s32 $0x2880  }
0x43: {  	[tilespmem:s16], [sflag:$0x1] =	stream.indirect_vreg.gather [hbm4b:s5+s3], $0x80, v3, vm0, $0xb8;
	[tilespmem:$0x18880] =	vst v63  }
0x44: {  	_ = 	snop  }
0x45: {  	[tilespmem:s19], [sflag:$0x1] =	stream.indirect_vreg.gather [hbm4b:s6+s3], $0x80, v3, vm0, $0xb8;
	[tilespmem:$0x18880] =	vst v63  }
0x46: {  	v3 =	vld [tilespmem:s13+$0xFFFFFF90];
	_ =	sdelay $0x4  }
0x47: {  	v57 =	vshrl.u32 v3, $0x3  }
0x48: {  	v4 =	vmul.u32 $0x30, v57  }
0x49: {  	v3 =	vand.u32 $0x7, v3  }
0x4a: {  	v3 =	vor.u32 v3, v4  }
0x4b: {  	v4 =	vperm.xlane v3, v0;
	_ =	sdelay $0x1  }
0x4c: {  	v4 =	vadd.s32 v1, v4;
	_ =	sdelay $0x3  }
0x4d: {  	s16 =	simm.s32 $0x3880;
	v3 =	vperm.xlane v3, v2  }
0x4e: {  	[tilespmem:s16], [sflag:$0x1] =	stream.indirect_vreg.gather [hbm4b:s1+s3], $0x80, v4, vm0, $0xb8;
	[tilespmem:$0x18880] =	vst v63  }
0x4f: {  	v3 =	vadd.s32 v1, v3  }
0x50: {  	[tilespmem:s21], [sflag:$0x1] =	stream.indirect_vreg.gather [hbm4b:s5+s3], $0x80, v4, vm0, $0xb8;
	[tilespmem:$0x18880] =	vst v63  }
0x51: {  	s16 =	simm.s32 $0x4880  }
0x52: {  	[tilespmem:s16], [sflag:$0x1] =	stream.indirect_vreg.gather [hbm4b:s6+s3], $0x80, v4, vm0, $0xb8;
	[tilespmem:$0x18880] =	vst v63  }
0x53: {  	_ = 	snop  }
0x54: {  	[tilespmem:s23], [sflag:$0x1] =	stream.indirect_vreg.gather [hbm4b:s1+s3], $0x80, v3, vm0, $0xb8;
	[tilespmem:$0x18880] =	vst v63  }
0x55: {  	_ = 	snop  }
0x56: {  	[tilespmem:s24], [sflag:$0x1] =	stream.indirect_vreg.gather [hbm4b:s5+s3], $0x80, v3, vm0, $0xb8;
	[tilespmem:$0x18880] =	vst v63  }
0x57: {  	_ = 	snop  }
0x58: {  	[tilespmem:s25], [sflag:$0x1] =	stream.indirect_vreg.gather [hbm4b:s6+s3], $0x80, v3, vm0, $0xb8;
	[tilespmem:$0x18880] =	vst v63  }
0x59: {  	v3 =	vld [tilespmem:s13+$0xFFFFFFA0];
	_ =	sdelay $0x4  }
0x5a: {  	v58 =	vshrl.u32 v3, $0x3  }
0x5b: {  	v4 =	vmul.u32 $0x30, v58  }
0x5c: {  	v3 =	vand.u32 $0x7, v3  }
0x5d: {  	v3 =	vor.u32 v3, v4  }
0x5e: {  	v4 =	vperm.xlane v3, v0;
	_ =	sdelay $0x1  }
0x5f: {  	v4 =	vadd.s32 v1, v4;
	_ =	sdelay $0x3  }
0x60: {  	v3 =	vperm.xlane v3, v2  }
0x61: {  	[tilespmem:s26], [sflag:$0x1] =	stream.indirect_vreg.gather [hbm4b:s1+s3], $0x80, v4, vm0, $0xb8;
	[tilespmem:$0x18880] =	vst v63  }
0x62: {  	v3 =	vadd.s32 v1, v3  }
0x63: {  	[tilespmem:s28], [sflag:$0x1] =	stream.indirect_vreg.gather [hbm4b:s5+s3], $0x80, v4, vm0, $0xb8;
	[tilespmem:$0x18880] =	vst v63  }
0x64: {  	_ = 	snop  }
0x65: {  	[tilespmem:s29], [sflag:$0x1] =	stream.indirect_vreg.gather [hbm4b:s6+s3], $0x80, v4, vm0, $0xb8;
	[tilespmem:$0x18880] =	vst v63  }
0x66: {  	_ = 	snop  }
0x67: {  	[tilespmem:s30], [sflag:$0x1] =	stream.indirect_vreg.gather [hbm4b:s1+s3], $0x80, v3, vm0, $0xb8;
	[tilespmem:$0x18880] =	vst v63  }
0x68: {  	_ = 	snop  }
0x69: {  	[tilespmem:s31], [sflag:$0x1] =	stream.indirect_vreg.gather [hbm4b:s5+s3], $0x80, v3, vm0, $0xb8;
	[tilespmem:$0x18880] =	vst v63  }
0x6a: {  	_ = 	snop  }
0x6b: {  	[tilespmem:s2], [sflag:$0x1] =	stream.indirect_vreg.gather [hbm4b:s6+s3], $0x80, v3, vm0, $0xb8;
	[tilespmem:$0x18880] =	vst v63  }
0x6c: {  	v3 =	vld [tilespmem:s13+$0xFFFFFFB0];
	_ =	sdelay $0x4  }
0x6d: {  	v59 =	vshrl.u32 v3, $0x3  }
0x6e: {  	v4 =	vmul.u32 $0x30, v59  }
0x6f: {  	v3 =	vand.u32 $0x7, v3  }
0x70: {  	v3 =	vor.u32 v3, v4  }
0x71: {  	v4 =	vperm.xlane v3, v0;
	_ =	sdelay $0x1  }
0x72: {  	v4 =	vadd.s32 v1, v4;
	_ =	sdelay $0x3  }
0x73: {  	v3 =	vperm.xlane v3, v2  }
0x74: {  	[tilespmem:s0], [sflag:$0x1] =	stream.indirect_vreg.gather [hbm4b:s1+s3], $0x80, v4, vm0, $0xb8;
	[tilespmem:$0x18880] =	vst v63  }
0x75: {  	v3 =	vadd.s32 v1, v3  }
0x76: {  	[tilespmem:s7], [sflag:$0x1] =	stream.indirect_vreg.gather [hbm4b:s5+s3], $0x80, v4, vm0, $0xb8;
	[tilespmem:$0x18880] =	vst v63  }
0x77: {  	_ = 	snop  }
0x78: {  	[tilespmem:s8], [sflag:$0x1] =	stream.indirect_vreg.gather [hbm4b:s6+s3], $0x80, v4, vm0, $0xb8;
	[tilespmem:$0x18880] =	vst v63  }
0x79: {  	_ = 	snop  }
0x7a: {  	[tilespmem:s18], [sflag:$0x1] =	stream.indirect_vreg.gather [hbm4b:s1+s3], $0x80, v3, vm0, $0xb8;
	[tilespmem:$0x18880] =	vst v63  }
0x7b: {  	_ = 	snop  }
0x7c: {  	[tilespmem:s20], [sflag:$0x1] =	stream.indirect_vreg.gather [hbm4b:s5+s3], $0x80, v3, vm0, $0xb8;
	[tilespmem:$0x18880] =	vst v63  }
0x7d: {  	_ = 	snop  }
0x7e: {  	[tilespmem:s22], [sflag:$0x1] =	stream.indirect_vreg.gather [hbm4b:s6+s3], $0x80, v3, vm0, $0xb8;
	[tilespmem:$0x18880] =	vst v63  }
0x7f: {  	v3 =	vld [tilespmem:s13+$0x0];
	_ =	sdelay $0x4  }
0x80: {  	v60 =	vshrl.u32 v3, $0x3  }
0x81: {  	v4 =	vmul.u32 $0x30, v60  }
0x82: {  	v3 =	vand.u32 $0x7, v3  }
0x83: {  	v3 =	vor.u32 v3, v4  }
0x84: {  	v4 =	vperm.xlane v3, v0;
	_ =	sdelay $0x1  }
0x85: {  	v4 =	vadd.s32 v1, v4;
	_ =	sdelay $0x3  }
0x86: {  	v3 =	vperm.xlane v3, v2  }
0x87: {  	[tilespmem:s4], [sflag:$0x2] =	stream.indirect_vreg.gather [hbm4b:s1+s3], $0x80, v4, vm0, $0xb8;
	[tilespmem:$0x18880] =	vst v63  }
0x88: {  	s15 =	rddreg [dreg:$0x6];
	v3 =	vadd.s32 v1, v3  }
0x89: {  	[tilespmem:s15], [sflag:$0x2] =	stream.indirect_vreg.gather [hbm4b:s5+s3], $0x80, v4, vm0, $0xb8;
	[tilespmem:$0x18880] =	vst v63  }
0x8a: {  	s16 =	rddreg [dreg:$0x7]  }
0x8b: {  	[tilespmem:s16], [sflag:$0x2] =	stream.indirect_vreg.gather [hbm4b:s6+s3], $0x80, v4, vm0, $0xb8;
	[tilespmem:$0x18880] =	vst v63  }
0x8c: {  	s15 =	rddreg [dreg:$0x8]  }
0x8d: {  	[tilespmem:s15], [sflag:$0x2] =	stream.indirect_vreg.gather [hbm4b:s1+s3], $0x80, v3, vm0, $0xb8;
	[tilespmem:$0x18880] =	vst v63  }
0x8e: {  	s16 =	rddreg [dreg:$0x9]  }
0x8f: {  	[tilespmem:s16], [sflag:$0x2] =	stream.indirect_vreg.gather [hbm4b:s5+s3], $0x80, v3, vm0, $0xb8;
	[tilespmem:$0x18880] =	vst v63  }
0x90: {  	s15 =	rddreg [dreg:$0xa]  }
0x91: {  	[tilespmem:s15], [sflag:$0x2] =	stream.indirect_vreg.gather [hbm4b:s6+s3], $0x80, v3, vm0, $0xb8;
	[tilespmem:$0x18880] =	vst v63  }
0x92: {  	v3 =	vld [tilespmem:s13+$0x10];
	_ =	sdelay $0x4  }
0x93: {  	v61 =	vshrl.u32 v3, $0x3  }
0x94: {  	v4 =	vmul.u32 $0x30, v61  }
0x95: {  	v3 =	vand.u32 $0x7, v3  }
0x96: {  	v3 =	vor.u32 v3, v4  }
0x97: {  	v4 =	vperm.xlane v3, v0;
	_ =	sdelay $0x1  }
0x98: {  	v4 =	vadd.s32 v1, v4;
	_ =	sdelay $0x3  }
0x99: {  	s15 =	rddreg [dreg:$0xb];
	v3 =	vperm.xlane v3, v2  }
0x9a: {  	[tilespmem:s15], [sflag:$0x2] =	stream.indirect_vreg.gather [hbm4b:s1+s3], $0x80, v4, vm0, $0xb8;
	[tilespmem:$0x18880] =	vst v63  }
0x9b: {  	s16 =	rddreg [dreg:$0xc];
	v3 =	vadd.s32 v1, v3  }
0x9c: {  	[tilespmem:s16], [sflag:$0x2] =	stream.indirect_vreg.gather [hbm4b:s5+s3], $0x80, v4, vm0, $0xb8;
	[tilespmem:$0x18880] =	vst v63  }
0x9d: {  	s15 =	rddreg [dreg:$0xd]  }
0x9e: {  	[tilespmem:s15], [sflag:$0x2] =	stream.indirect_vreg.gather [hbm4b:s6+s3], $0x80, v4, vm0, $0xb8;
	[tilespmem:$0x18880] =	vst v63  }
0x9f: {  	s16 =	rddreg [dreg:$0xe]  }
0xa0: {  	[tilespmem:s16], [sflag:$0x2] =	stream.indirect_vreg.gather [hbm4b:s1+s3], $0x80, v3, vm0, $0xb8;
	[tilespmem:$0x18880] =	vst v63  }
0xa1: {  	s15 =	rddreg [dreg:$0xf]  }
0xa2: {  	[tilespmem:s15], [sflag:$0x2] =	stream.indirect_vreg.gather [hbm4b:s5+s3], $0x80, v3, vm0, $0xb8;
	[tilespmem:$0x18880] =	vst v63  }
0xa3: {  	s16 =	rddreg [dreg:$0x10]  }
0xa4: {  	[tilespmem:s16], [sflag:$0x2] =	stream.indirect_vreg.gather [hbm4b:s6+s3], $0x80, v3, vm0, $0xb8;
	[tilespmem:$0x18880] =	vst v63  }
0xa5: {  	v3 =	vld [tilespmem:s13+$0x20];
	_ =	sdelay $0x4  }
0xa6: {  	v62 =	vshrl.u32 v3, $0x3  }
0xa7: {  	v4 =	vmul.u32 $0x30, v62  }
0xa8: {  	v3 =	vand.u32 $0x7, v3  }
0xa9: {  	v3 =	vor.u32 v3, v4  }
0xaa: {  	v4 =	vperm.xlane v3, v0;
	_ =	sdelay $0x1  }
0xab: {  	v4 =	vadd.s32 v1, v4;
	_ =	sdelay $0x3  }
0xac: {  	s15 =	rddreg [dreg:$0x11];
	v3 =	vperm.xlane v3, v2  }
0xad: {  	[tilespmem:s15], [sflag:$0x2] =	stream.indirect_vreg.gather [hbm4b:s1+s3], $0x80, v4, vm0, $0xb8;
	[tilespmem:$0x18880] =	vst v63  }
0xae: {  	s16 =	rddreg [dreg:$0x12];
	v3 =	vadd.s32 v1, v3  }
0xaf: {  	[tilespmem:s16], [sflag:$0x2] =	stream.indirect_vreg.gather [hbm4b:s5+s3], $0x80, v4, vm0, $0xb8;
	[tilespmem:$0x18880] =	vst v63  }
0xb0: {  	s15 =	rddreg [dreg:$0x13]  }
0xb1: {  	[tilespmem:s15], [sflag:$0x2] =	stream.indirect_vreg.gather [hbm4b:s6+s3], $0x80, v4, vm0, $0xb8;
	[tilespmem:$0x18880] =	vst v63  }
0xb2: {  	s16 =	rddreg [dreg:$0x14]  }
0xb3: {  	[tilespmem:s16], [sflag:$0x2] =	stream.indirect_vreg.gather [hbm4b:s1+s3], $0x80, v3, vm0, $0xb8;
	[tilespmem:$0x18880] =	vst v63  }
0xb4: {  	s15 =	rddreg [dreg:$0x15]  }
0xb5: {  	[tilespmem:s15], [sflag:$0x2] =	stream.indirect_vreg.gather [hbm4b:s5+s3], $0x80, v3, vm0, $0xb8;
	[tilespmem:$0x18880] =	vst v63  }
0xb6: {  	s16 =	rddreg [dreg:$0x16]  }
0xb7: {  	[tilespmem:s16], [sflag:$0x2] =	stream.indirect_vreg.gather [hbm4b:s6+s3], $0x80, v3, vm0, $0xb8;
	[tilespmem:$0x18880] =	vst v63  }
0xb8: {  	v3 =	vld [tilespmem:s13+$0x30];
	_ =	sdelay $0x4  }
0xb9: {  	v63 =	vshrl.u32 v3, $0x3  }
0xba: {  	v4 =	vmul.u32 $0x30, v63  }
0xbb: {  	v3 =	vand.u32 $0x7, v3  }
0xbc: {  	v3 =	vor.u32 v3, v4  }
0xbd: {  	v4 =	vperm.xlane v3, v0;
	_ =	sdelay $0x1  }
0xbe: {  	v4 =	vadd.s32 v1, v4;
	_ =	sdelay $0x3  }
0xbf: {  	s15 =	rddreg [dreg:$0x17];
	v3 =	vperm.xlane v3, v2  }
0xc0: {  	[tilespmem:s15], [sflag:$0x2] =	stream.indirect_vreg.gather [hbm4b:s1+s3], $0x80, v4, vm0, $0xb8;
	[tilespmem:$0x18880] =	vst v63  }
0xc1: {  	s16 =	rddreg [dreg:$0x18];
	v3 =	vadd.s32 v1, v3  }
0xc2: {  	[tilespmem:s16], [sflag:$0x2] =	stream.indirect_vreg.gather [hbm4b:s5+s3], $0x80, v4, vm0, $0xb8;
	[tilespmem:$0x18880] =	vst v63  }
0xc3: {  	s15 =	rddreg [dreg:$0x19]  }
0xc4: {  	[tilespmem:s15], [sflag:$0x2] =	stream.indirect_vreg.gather [hbm4b:s6+s3], $0x80, v4, vm0, $0xb8;
	[tilespmem:$0x18880] =	vst v63  }
0xc5: {  	s16 =	rddreg [dreg:$0x1a]  }
0xc6: {  	[tilespmem:s16], [sflag:$0x2] =	stream.indirect_vreg.gather [hbm4b:s1+s3], $0x80, v3, vm0, $0xb8;
	[tilespmem:$0x18880] =	vst v63  }
0xc7: {  	s15 =	rddreg [dreg:$0x1b]  }
0xc8: {  	[tilespmem:s15], [sflag:$0x2] =	stream.indirect_vreg.gather [hbm4b:s5+s3], $0x80, v3, vm0, $0xb8;
	[tilespmem:$0x18880] =	vst v63  }
0xc9: {  	s16 =	rddreg [dreg:$0x1c]  }
0xca: {  	[tilespmem:s16], [sflag:$0x2] =	stream.indirect_vreg.gather [hbm4b:s6+s3], $0x80, v3, vm0, $0xb8;
	[tilespmem:$0x18880] =	vst v63  }
0xcb: {  	_ =	swait.ge [sflag:s9], $0xC000  }
0xcc: {  	s15 =	rddreg [dreg:$0x5];
	[sflag:s9] =	ssyncset.done $0x0  }
0xcd: {  	[sflag:s9] =	ssyncadd.s32 $0xFFFF4000;
	s15 =	sadd.s32 s14, s15  }
0xce: {  	[hbm4b:s15+s3] =	stream.linear.scatter [tilespmem:s11], [sflag:$0x3], $0xC000, $0x38;
	[tilespmem:$0x18880] =	vst v63  }
0xcf: {  	_ =	swait.ge [sflag:s10], $0xC000  }
0xd0: {  	[sflag:s10] =	ssyncset.done $0x0  }
0xd1: {  	[sflag:s10] =	ssyncadd.s32 $0xFFFF4000  }
0xd2: {  	_ =	swait.ge [sflag:s12], $0xC000  }
0xd3: {  	p1 =	sne.s32 s14, $0x15000;
	s15 =	rddreg [dreg:$0x4];
	[sflag:s12] =	ssyncset.done $0x0  }
.Ltmp2:
0xd4: {  	[sflag:s12] =	ssyncadd.s32 $0xFFFF4000;
	s15 =	sadd.s32 s14, s15;
	(pc) =	sbr.rel @p1 .LBB2_2-.Ltmp2, $4  }
0xd5: {  	[hbm4b:s15+s3] =	stream.linear.scatter [tilespmem:s4], [sflag:$0x3], $0xC000, $0x38;
	[tilespmem:$0x18880] =	vst v63  }
0xd6: {  	_ =	swait.ge [sflag:s10], $0xC000  }
0xd7: {  	s13 =	sadd.s32 $0x100, s13;
	s16 =	simm.s32 $0x1880;
	[sflag:s10] =	ssyncset.done $0x0  }
0xd8: {  	s14 =	sadd.s32 $0x3000, s14;
	s15 =	simm.s32 $0x1080;
	[sflag:s10] =	ssyncadd.s32 $0xFFFF4000  }
0xd9: {  	s14 =	simm.s32 $0x2080  }
0xda: {  	s17 =	simm.s32 $0x2880;
	s18 =	simm.s32 $0x3080;
	s19 =	simm.s32 $0x3880  }
.Ltmp3:
0xdb: {  	s20 =	simm.s32 $0x4080;
	s21 =	simm.s32 $0x4880;
	(pc) =	sbr.rel @p0 .LBB2_5-.Ltmp3, $4  }
0xdc: {  	s22 =	simm.s32 $0x5080;
	s23 =	simm.s32 $0x5880;
	s24 =	simm.s32 $0x6080  }
0xdd: {  	s25 =	simm.s32 $0x6880;
	s26 =	simm.s32 $0x7080;
	s28 =	simm.s32 $0x7880  }
0xde: {  	s29 =	simm.s32 $0x8080;
	s30 =	simm.s32 $0x8880;
	s2 =	simm.s32 $0x9080  }
0xdf: {  	s0 =	simm.s32 $0x9880;
	s7 =	simm.s32 $0xA080;
	s8 =	sld [smem:$0x7FC]  }
0xe0: {  	s13 =	rddreg [dreg:$0x1e];
	s31 =	simm.s32 $0x800  }
0xe1: {  	[tilespmem:s31], [sflag:$0x3] =	stream.linear.gather [hbm4b:s13+s3], $0x80, $0x38;
	[tilespmem:$0x18880] =	vst v63  }
0xe2: {  	_ =	swait.ge [sflag:s10], $0x80  }
0xe3: {  	[sflag:s10] =	ssyncset.done $0x0  }
0xe4: {  	[sflag:s10] =	ssyncadd.s32 $0xFFFFFF80  }
0xe5: {  	v3 =	vld [tilespmem:$0x800];
	_ =	sdelay $0x4  }
0xe6: {  	v4 =	vshrl.u32 v3, $0x3  }
0xe7: {  	v4 =	vmul.u32 $0x30, v4  }
0xe8: {  	v3 =	vand.u32 $0x7, v3  }
0xe9: {  	v3 =	vor.u32 v3, v4  }
0xea: {  	v4 =	vperm.xlane v3, v0;
	_ =	sdelay $0x1  }
0xeb: {  	v4 =	vadd.s32 v1, v4;
	_ =	sdelay $0x3  }
0xec: {  	v3 =	vperm.xlane v3, v2  }
0xed: {  	[tilespmem:s11], [sflag:$0x1] =	stream.indirect_vreg.gather [hbm4b:s1+s3], $0x80, v4, vm0, $0xb8;
	[tilespmem:$0x18880] =	vst v63  }
0xee: {  	v3 =	vadd.s32 v1, v3  }
0xef: {  	[tilespmem:s15], [sflag:$0x1] =	stream.indirect_vreg.gather [hbm4b:s5+s3], $0x80, v4, vm0, $0xb8;
	[tilespmem:$0x18880] =	vst v63  }
0xf0: {  	_ = 	snop  }
0xf1: {  	[tilespmem:s16], [sflag:$0x1] =	stream.indirect_vreg.gather [hbm4b:s6+s3], $0x80, v4, vm0, $0xb8;
	[tilespmem:$0x18880] =	vst v63  }
0xf2: {  	_ = 	snop  }
0xf3: {  	[tilespmem:s14], [sflag:$0x1] =	stream.indirect_vreg.gather [hbm4b:s1+s3], $0x80, v3, vm0, $0xb8;
	[tilespmem:$0x18880] =	vst v63  }
0xf4: {  	_ = 	snop  }
0xf5: {  	[tilespmem:s17], [sflag:$0x1] =	stream.indirect_vreg.gather [hbm4b:s5+s3], $0x80, v3, vm0, $0xb8;
	[tilespmem:$0x18880] =	vst v63  }
0xf6: {  	_ = 	snop  }
0xf7: {  	[tilespmem:s18], [sflag:$0x1] =	stream.indirect_vreg.gather [hbm4b:s6+s3], $0x80, v3, vm0, $0xb8;
	[tilespmem:$0x18880] =	vst v63  }
0xf8: {  	v3 =	vld [tilespmem:$0x810];
	_ =	sdelay $0x4  }
0xf9: {  	v61 =	vshrl.u32 v3, $0x3  }
0xfa: {  	v4 =	vmul.u32 $0x30, v61  }
0xfb: {  	v3 =	vand.u32 $0x7, v3  }
0xfc: {  	v3 =	vor.u32 v3, v4  }
0xfd: {  	v4 =	vperm.xlane v3, v0;
	_ =	sdelay $0x1  }
0xfe: {  	v4 =	vadd.s32 v1, v4;
	_ =	sdelay $0x3  }
0xff: {  	v3 =	vperm.xlane v3, v2  }
0x100: {  	[tilespmem:s19], [sflag:$0x1] =	stream.indirect_vreg.gather [hbm4b:s1+s3], $0x80, v4, vm0, $0xb8;
	[tilespmem:$0x18880] =	vst v63  }
0x101: {  	v3 =	vadd.s32 v1, v3  }
0x102: {  	[tilespmem:s20], [sflag:$0x1] =	stream.indirect_vreg.gather [hbm4b:s5+s3], $0x80, v4, vm0, $0xb8;
	[tilespmem:$0x18880] =	vst v63  }
0x103: {  	_ = 	snop  }
0x104: {  	[tilespmem:s21], [sflag:$0x1] =	stream.indirect_vreg.gather [hbm4b:s6+s3], $0x80, v4, vm0, $0xb8;
	[tilespmem:$0x18880] =	vst v63  }
0x105: {  	_ = 	snop  }
0x106: {  	[tilespmem:s22], [sflag:$0x1] =	stream.indirect_vreg.gather [hbm4b:s1+s3], $0x80, v3, vm0, $0xb8;
	[tilespmem:$0x18880] =	vst v63  }
0x107: {  	_ = 	snop  }
0x108: {  	[tilespmem:s23], [sflag:$0x1] =	stream.indirect_vreg.gather [hbm4b:s5+s3], $0x80, v3, vm0, $0xb8;
	[tilespmem:$0x18880] =	vst v63  }
0x109: {  	_ = 	snop  }
0x10a: {  	[tilespmem:s24], [sflag:$0x1] =	stream.indirect_vreg.gather [hbm4b:s6+s3], $0x80, v3, vm0, $0xb8;
	[tilespmem:$0x18880] =	vst v63  }
0x10b: {  	v3 =	vld [tilespmem:$0x820];
	_ =	sdelay $0x4  }
0x10c: {  	v62 =	vshrl.u32 v3, $0x3  }
0x10d: {  	v4 =	vmul.u32 $0x30, v62  }
0x10e: {  	v3 =	vand.u32 $0x7, v3  }
0x10f: {  	v3 =	vor.u32 v3, v4  }
0x110: {  	v4 =	vperm.xlane v3, v0;
	_ =	sdelay $0x1  }
0x111: {  	v4 =	vadd.s32 v1, v4;
	_ =	sdelay $0x3  }
0x112: {  	v3 =	vperm.xlane v3, v2  }
0x113: {  	[tilespmem:s25], [sflag:$0x1] =	stream.indirect_vreg.gather [hbm4b:s1+s3], $0x80, v4, vm0, $0xb8;
	[tilespmem:$0x18880] =	vst v63  }
0x114: {  	v3 =	vadd.s32 v1, v3  }
0x115: {  	[tilespmem:s26], [sflag:$0x1] =	stream.indirect_vreg.gather [hbm4b:s5+s3], $0x80, v4, vm0, $0xb8;
	[tilespmem:$0x18880] =	vst v63  }
0x116: {  	_ = 	snop  }
0x117: {  	[tilespmem:s28], [sflag:$0x1] =	stream.indirect_vreg.gather [hbm4b:s6+s3], $0x80, v4, vm0, $0xb8;
	[tilespmem:$0x18880] =	vst v63  }
0x118: {  	_ = 	snop  }
0x119: {  	[tilespmem:s29], [sflag:$0x1] =	stream.indirect_vreg.gather [hbm4b:s1+s3], $0x80, v3, vm0, $0xb8;
	[tilespmem:$0x18880] =	vst v63  }
0x11a: {  	_ = 	snop  }
0x11b: {  	[tilespmem:s30], [sflag:$0x1] =	stream.indirect_vreg.gather [hbm4b:s5+s3], $0x80, v3, vm0, $0xb8;
	[tilespmem:$0x18880] =	vst v63  }
0x11c: {  	_ = 	snop  }
0x11d: {  	[tilespmem:s2], [sflag:$0x1] =	stream.indirect_vreg.gather [hbm4b:s6+s3], $0x80, v3, vm0, $0xb8;
	[tilespmem:$0x18880] =	vst v63  }
0x11e: {  	v3 =	vld [tilespmem:$0x830];
	_ =	sdelay $0x4  }
0x11f: {  	v63 =	vshrl.u32 v3, $0x3  }
0x120: {  	v4 =	vmul.u32 $0x30, v63  }
0x121: {  	v3 =	vand.u32 $0x7, v3  }
0x122: {  	v3 =	vor.u32 v3, v4  }
0x123: {  	v4 =	vperm.xlane v3, v0;
	_ =	sdelay $0x1  }
0x124: {  	v4 =	vadd.s32 v1, v4;
	_ =	sdelay $0x3  }
0x125: {  	v3 =	vperm.xlane v3, v2  }
0x126: {  	[tilespmem:s0], [sflag:$0x1] =	stream.indirect_vreg.gather [hbm4b:s1+s3], $0x80, v4, vm0, $0xb8;
	[tilespmem:$0x18880] =	vst v63  }
0x127: {  	v3 =	vadd.s32 v1, v3  }
0x128: {  	[tilespmem:s7], [sflag:$0x1] =	stream.indirect_vreg.gather [hbm4b:s5+s3], $0x80, v4, vm0, $0xb8;
	[tilespmem:$0x18880] =	vst v63  }
0x129: {  	s26 =	simm.s32 $0xA880  }
0x12a: {  	[tilespmem:s26], [sflag:$0x1] =	stream.indirect_vreg.gather [hbm4b:s6+s3], $0x80, v4, vm0, $0xb8;
	[tilespmem:$0x18880] =	vst v63  }
0x12b: {  	s28 =	simm.s32 $0xB080  }
0x12c: {  	[tilespmem:s28], [sflag:$0x1] =	stream.indirect_vreg.gather [hbm4b:s1+s3], $0x80, v3, vm0, $0xb8;
	[tilespmem:$0x18880] =	vst v63  }
0x12d: {  	s29 =	simm.s32 $0xB880  }
0x12e: {  	[tilespmem:s29], [sflag:$0x1] =	stream.indirect_vreg.gather [hbm4b:s5+s3], $0x80, v3, vm0, $0xb8;
	[tilespmem:$0x18880] =	vst v63  }
0x12f: {  	s30 =	simm.s32 $0xC080  }
0x130: {  	[tilespmem:s30], [sflag:$0x1] =	stream.indirect_vreg.gather [hbm4b:s6+s3], $0x80, v3, vm0, $0xb8;
	[tilespmem:$0x18880] =	vst v63  }
0x131: {  	_ =	swait.ge [sflag:s9], $0xC000  }
0x132: {  	[sflag:s9] =	ssyncset.done $0x0  }
.Ltmp4:
0x133: {  	s31 =	rddreg [dreg:$0x1f];
	[sflag:s9] =	ssyncadd.s32 $0xFFFF4000;
	(pc) =	sbr.rel .LBB2_5-.Ltmp4, $4  }
0x134: {  	[hbm4b:s31+s3] =	stream.linear.scatter [tilespmem:s11], [sflag:$0x3], $0xC000, $0x38;
	[tilespmem:$0x18880] =	vst v63  }
0x135: {  	_ =	swait.ge [sflag:s10], $0xC000  }
0x136: {  	[sflag:s10] =	ssyncset.done $0x0  }
0x137: {  	[sflag:s10] =	ssyncadd.s32 $0xFFFF4000  }
.LBB2_6:
0x138: {  	_ =	sfence.sel $0x180000  }
0x139: {  	[bflag:$0x0] =	sbarrier.arrive $0xFFFF  }
0x13a: {  	_ =	strace $0x90000047  }
0x13b: {  	s0 =	stileid.u32;
	[bflag:$0x2] =	sbarrier.arrive $0xFFFF  }
0x13c: {  	p0 =	sne.s32 s0, $0x0;
	s0 =	rddreg [dreg:$0x3]  }
0x13d: {  	s0 =	sadd.s32 @!p0 $0x100000, s0  }
0x13e: {  	[sflag:s0] =	ssyncadd.tile.s32 @!p0 $0x1;
	_ =	shalt  }
.Lfunc_end2:
_tile_overlayer_lowered:
.L_overlay_start_2:
0x13f: {  	(tag) =	ssettag $0x2  }
0x140: {  	s0 =	rddreg [dreg:$0x0];
	s2 =	stileid.u32  }
0x141: {  	s1 =	rddreg [dreg:$0x1];
	p0 =	sne.s32 s2, $0x0  }
0x142: {  	s3 =	rddreg [dreg:$0x2];
	[bflag:$0x3] =	sbarrier.arrive $0xFFFF;
	s2 =	simm.s32 @!p0 $0x1C03  }
0x143: {  	[timem:s3], [sflag:s2] =	dma.local @!p0 [hbm:s0], s1  }
0x144: {  	s0 =	simm.s32 @!p0 $0x3  }
0x145: {  	_ =	swait.ge @!p0 [sflag:s0], s1  }
0x146: {  	s1 =	ssub.s32 @!p0 $0x0, s1;
	[sflag:s0] =	ssyncset.done @!p0 $0x0  }
0x147: {  	[sflag:s0] =	ssyncadd.s32 @!p0 s1  }
0x148: {  	[bflag:$0x3] =	sbarrier.arrive $0xFFFF  }
0x149: {  	_ =	shalt  }

</sc_bundles>
